<compile_context>
chip_gen: v7x
topology: tpu7x:2x2x1
jax: 0.10.2.dev20260603
libtpu: 0.0.44.dev20260713+nightly
codegen_flags: <defaults>
</compile_context>

<pallas_src>
import functools

import jax
import jax.numpy as jnp
import numpy as np
from jax import lax
from jax.experimental import pallas as pl
from jax.experimental.pallas import tpu as pltpu
from jax.experimental.pallas import tpu_sc as plsc

NC = 2
NS = 16
NW = NC * NS
N_NODES = 10000
D = 128
CHUNK = 128
G = 16
NPAD_ROWS = 112
NROWS = N_NODES + NPAD_ROWS
ROWS_PER_TILE = NROWS // NS


@functools.partial(jax.jit, static_argnames=("ngroups",))
def _segment_sum_sc(h, srcd, *, ngroups):
    @functools.partial(
        pl.kernel,
        out_type=jax.ShapeDtypeStruct((NC, NROWS, D), jnp.float32),
        mesh=plsc.VectorSubcoreMesh(
            core_axis_name="c", subcore_axis_name="s",
            num_cores=NC, num_subcores=NS),
        scratch_types=[
            pltpu.VMEM((2, G, CHUNK), jnp.int32),
            pltpu.VMEM((CHUNK, D), jnp.float32),
            pltpu.VMEM((CHUNK, D), jnp.float32),
            pltpu.SemaphoreType.DMA,
            pltpu.SemaphoreType.DMA,
            pltpu.SemaphoreType.DMA,
            pltpu.SemaphoreType.DMA,
            pltpu.VMEM_SHARED((NROWS, D), jnp.float32),
        ],
    )
    def seg_kernel(h_hbm, srcd_hbm, out_hbm,
                   idx_v, buf_a, buf_b, sem_a, sem_b, sem_sa, sem_sb, agg_sh):
        c = lax.axis_index("c")
        s = lax.axis_index("s")
        wid = c * NS + s
        zv = jnp.zeros((16,), jnp.float32)

        def zrow(r, _):
            def zcol(k, __):
                buf_a[r, pl.ds(k * 16, 16)] = zv
                return 0
            lax.fori_loop(0, D // 16, zcol, 0)
            return 0

        lax.fori_loop(0, CHUNK, zrow, 0)
        base = s * ROWS_PER_TILE
        for blk in range(ROWS_PER_TILE // CHUNK):
            pltpu.sync_copy(buf_a, agg_sh.at[pl.ds(base + blk * CHUNK, CHUNK)])
        rem_rows = ROWS_PER_TILE % CHUNK
        if rem_rows:
            pltpu.sync_copy(
                buf_a.at[pl.ds(0, rem_rows)],
                agg_sh.at[pl.ds(base + (ROWS_PER_TILE // CHUNK) * CHUNK, rem_rows)])
        plsc.subcore_barrier()

        def group_body(g, _):
            pltpu.sync_copy(srcd_hbm.at[wid, g], idx_v)
            pltpu.async_copy(h_hbm.at[idx_v.at[0, 0]], buf_a, sem_a)

            def body(jj, _):
                @pl.when(lax.rem(jj, 2) == 0)
                def _even():
                    pltpu.make_async_copy(h_hbm.at[idx_v.at[0, jj]], buf_a, sem_a).wait()
                    pltpu.async_copy(buf_a, agg_sh.at[idx_v.at[1, jj]], sem_sa, add=True)
                    @pl.when(jj >= 1)
                    def _():
                        pltpu.make_async_copy(
                            buf_b, agg_sh.at[idx_v.at[1, jj - 1]], sem_sb).wait()
                    @pl.when(jj + 1 < G)
                    def _():
                        pltpu.async_copy(h_hbm.at[idx_v.at[0, jj + 1]], buf_b, sem_b)

                @pl.when(lax.rem(jj, 2) == 1)
                def _odd():
                    pltpu.make_async_copy(h_hbm.at[idx_v.at[0, jj]], buf_b, sem_b).wait()
                    pltpu.async_copy(buf_b, agg_sh.at[idx_v.at[1, jj]], sem_sb, add=True)
                    pltpu.make_async_copy(
                        buf_a, agg_sh.at[idx_v.at[1, jj - 1]], sem_sa).wait()
                    @pl.when(jj + 1 < G)
                    def _():
                        pltpu.async_copy(h_hbm.at[idx_v.at[0, jj + 1]], buf_a, sem_a)
                return 0

            lax.fori_loop(0, G, body, 0)
            pltpu.make_async_copy(
                buf_b, agg_sh.at[idx_v.at[1, G - 1]], sem_sb).wait()
            return 0

        lax.fori_loop(0, ngroups, group_body, 0)
        plsc.subcore_barrier()
        pltpu.sync_copy(
            agg_sh.at[pl.ds(s * ROWS_PER_TILE, ROWS_PER_TILE)],
            out_hbm.at[c, pl.ds(s * ROWS_PER_TILE, ROWS_PER_TILE)])

    return seg_kernel(h, srcd)


def _u_body(node_ref, wiv_ref, biv_ref, wtop_ref, out_ref):
    x = jnp.dot(node_ref[...], wiv_ref[...],
                preferred_element_type=jnp.float32) + biv_ref[...]
    out_ref[...] = jnp.dot(x, wtop_ref[...], preferred_element_type=jnp.float32)


def _compute_u(node, W_iv, b_iv, W_il_top):
    B = node.shape[0]
    K = node.shape[1]
    BB = 256
    return pl.pallas_call(
        _u_body,
        grid=(B // BB,),
        in_specs=[
            pl.BlockSpec((BB, K), lambda i: (i, 0)),
            pl.BlockSpec((K, D), lambda i: (0, 0)),
            pl.BlockSpec((1, D), lambda i: (0, 0)),
            pl.BlockSpec((D, D), lambda i: (0, 0)),
        ],
        out_specs=pl.BlockSpec((BB, D), lambda i: (i, 0)),
        out_shape=jax.ShapeDtypeStruct((B, D), jnp.float32),
    )(node, W_iv, b_iv.reshape(1, D), W_il_top)


def _layer_body(p0_ref, p1_ref, w_ref, b_ref, out_ref, *, act):
    a = p0_ref[0] + p1_ref[0]
    t = jnp.dot(a, w_ref[...], preferred_element_type=jnp.float32) + b_ref[...]
    if act == "elu":
        t = jnp.where(t > 0, t, jnp.exp(jnp.minimum(t, 0.0)) - 1.0)
    else:
        t = jnp.maximum(t, 0.0)
    out_ref[...] = t


def _layer(agg_pair, W, b, act):
    R = 2528
    grid = NROWS // R
    return pl.pallas_call(
        functools.partial(_layer_body, act=act),
        grid=(grid,),
        in_specs=[
            pl.BlockSpec((1, R, D), lambda i: (0, i, 0)),
            pl.BlockSpec((1, R, D), lambda i: (1, i, 0)),
            pl.BlockSpec((D, D), lambda i: (0, 0)),
            pl.BlockSpec((1, D), lambda i: (0, 0)),
        ],
        out_specs=pl.BlockSpec((R, D), lambda i: (i, 0)),
        out_shape=jax.ShapeDtypeStruct((NROWS, D), jnp.float32),
    )(agg_pair, agg_pair, W, b.reshape(1, D))


def _layer3_body(p0_ref, p1_ref, w_ref, b_ref, out_ref, *, rows):
    i = pl.program_id(0)
    a = p0_ref[0] + p1_ref[0]
    t = jnp.dot(a, w_ref[...], preferred_element_type=jnp.float32) + b_ref[...]
    t = jnp.maximum(t, 0.0)
    rid = i * rows + lax.broadcasted_iota(jnp.int32, (rows, 1), 0)
    t = jnp.where(rid < N_NODES, t, 0.0)
    part = jnp.sum(t, axis=0, keepdims=True)

    @pl.when(i == 0)
    def _():
        out_ref[...] = jnp.zeros_like(out_ref)

    out_ref[...] += part


def _layer3_colsum(agg_pair, W, b):
    R = 2528
    grid = NROWS // R
    return pl.pallas_call(
        functools.partial(_layer3_body, rows=R),
        grid=(grid,),
        in_specs=[
            pl.BlockSpec((1, R, D), lambda i: (0, i, 0)),
            pl.BlockSpec((1, R, D), lambda i: (1, i, 0)),
            pl.BlockSpec((D, D), lambda i: (0, 0)),
            pl.BlockSpec((1, D), lambda i: (0, 0)),
        ],
        out_specs=pl.BlockSpec((1, D), lambda i: (0, 0)),
        out_shape=jax.ShapeDtypeStruct((1, D), jnp.float32),
    )(agg_pair, agg_pair, W, b.reshape(1, D))


def _final_body(u_ref, ysum_ref, wbot_ref, bil_ref, wio_ref, bio_ref, out_ref):
    ymean = ysum_ref[...] * np.float32(1.0 / N_NODES)
    cvec = jnp.dot(ymean, wbot_ref[...], preferred_element_type=jnp.float32) \
        + bil_ref[...]
    z = jnp.maximum(u_ref[...] + cvec, 0.0)
    out_ref[...] = jnp.dot(z, wio_ref[...], preferred_element_type=jnp.float32) \
        + bio_ref[...]


def _final(u, ysum, W_il_bot, b_il, W_io_pad, b_io_pad):
    B = u.shape[0]
    return pl.pallas_call(
        _final_body,
        out_shape=jax.ShapeDtypeStruct((B, D), jnp.float32),
    )(u, ysum, W_il_bot, b_il.reshape(1, D), W_io_pad, b_io_pad)


def kernel(node, X, edge_index, W_iv, b_iv, W_in, b_in, W_h, b_h,
           W_out, b_out, W_il, b_il, W_io, b_io):
    E = edge_index.shape[1]
    src = edge_index[0].astype(jnp.int32)
    dst = edge_index[1].astype(jnp.int32)
    ngroups = -(-E // (NW * G * CHUNK))
    ep = NW * ngroups * G * CHUNK
    pad = ep - E
    if pad:
        padi = jnp.arange(pad, dtype=jnp.int32)
        src = jnp.concatenate([src, padi % N_NODES])
        dst = jnp.concatenate([dst, N_NODES + padi % NPAD_ROWS])
    srcd = jnp.stack([src.reshape(NW, ngroups, G, CHUNK),
                      dst.reshape(NW, ngroups, G, CHUNK)], axis=2)

    u = _compute_u(node, W_iv, b_iv, W_il[:D])

    agg1 = _segment_sum_sc(X, srcd, ngroups=ngroups)
    h1 = _layer(agg1, W_in, b_in, "elu")
    agg2 = _segment_sum_sc(h1, srcd, ngroups=ngroups)
    h2 = _layer(agg2, W_h, b_h, "relu")
    agg3 = _segment_sum_sc(h2, srcd, ngroups=ngroups)
    ysum = _layer3_colsum(agg3, W_out, b_out)

    W_io_pad = jnp.pad(W_io, ((0, 0), (0, D - W_io.shape[1])))
    b_io_pad = jnp.pad(b_io, (0, D - b_io.shape[0])).reshape(1, D)
    out = _final(u, ysum, W_il[D:], b_il, W_io_pad, b_io_pad)
    return out[:, :1]

# --- scband reference (transcript-rebuilt; emitter-appended) ---
"""Pipeline reference for scband-link-prediction-61143154425965 (READ-ONLY COPY).

The authoritative reference and input builder live on the scoring server;
editing this copy changes nothing except your own understanding.
"""

import jax, jax.numpy as jnp
import numpy as np

N_NODES = 10000
N_EDGES = 320000
D_FEAT = 128
EMB = 128
BATCH = 1024
NUM_EMBEDDINGS = 10000


def setup_inputs(seed: int = 0) -> dict:
    key = jax.random.key(seed)
    ks = jax.random.split(key, 20)
    node = jax.random.normal(ks[0], (BATCH, NUM_EMBEDDINGS), dtype=jnp.float32)
    X = jax.random.normal(ks[1], (N_NODES, D_FEAT), dtype=jnp.float32)
    edge_index = jax.random.randint(ks[2], (2, N_EDGES), 0, N_NODES, dtype=jnp.int64)
    s = 0.05
    W_iv = jax.random.normal(ks[3], (NUM_EMBEDDINGS, EMB), dtype=jnp.float32) * s
    b_iv = jnp.zeros((EMB,), dtype=jnp.float32)
    W_in = jax.random.normal(ks[4], (D_FEAT, EMB), dtype=jnp.float32) * s
    b_in = jnp.zeros((EMB,), dtype=jnp.float32)
    W_h = jax.random.normal(ks[5], (EMB, EMB), dtype=jnp.float32) * s
    b_h = jnp.zeros((EMB,), dtype=jnp.float32)
    W_out = jax.random.normal(ks[6], (EMB, EMB), dtype=jnp.float32) * s
    b_out = jnp.zeros((EMB,), dtype=jnp.float32)
    W_il = jax.random.normal(ks[7], (2 * EMB, EMB), dtype=jnp.float32) * s
    b_il = jnp.zeros((EMB,), dtype=jnp.float32)
    W_io = jax.random.normal(ks[8], (EMB, 1), dtype=jnp.float32) * s
    b_io = jnp.zeros((1,), dtype=jnp.float32)
    return {
        "node": node, "X": X, "edge_index": edge_index,
        "W_iv": W_iv, "b_iv": b_iv,
        "W_in": W_in, "b_in": b_in,
        "W_h": W_h, "b_h": b_h,
        "W_out": W_out, "b_out": b_out,
        "W_il": W_il, "b_il": b_il,
        "W_io": W_io, "b_io": b_io,
    }


def _gcn_layer(h, src, dst, n, W, b):
    # message passing: gather source features, scatter-add into destinations, then linear
    msgs = jnp.take(h, src, axis=0)
    agg = jax.ops.segment_sum(msgs, dst, num_segments=n)
    return agg @ W + b


def reference(node, X, edge_index, W_iv, b_iv, W_in, b_in, W_h, b_h, W_out, b_out, W_il, b_il, W_io, b_io):
    src = edge_index[0]
    dst = edge_index[1]
    n = X.shape[0]
    # ivectors: project candidate node representations
    x = node @ W_iv + b_iv  # [B, EMB]
    # _forward_common: in_layer -> elu, hidden layer -> relu, dropout (eval: no-op), out_layer -> relu
    h = jax.nn.elu(_gcn_layer(X, src, dst, n, W_in, b_in))
    h = jax.nn.relu(_gcn_layer(h, src, dst, n, W_h, b_h))
    y = jax.nn.relu(_gcn_layer(h, src, dst, n, W_out, b_out))  # [N, EMB]
    # concat per-candidate embedding (repeat_val=1) with graph readout broadcast to batch
    batch_size = x.shape[0]
    y_mean = jnp.mean(y, axis=0)
    cat = jnp.concatenate([x.reshape(batch_size, -1), jnp.broadcast_to(y_mean, (batch_size, y_mean.shape[0]))], axis=1)
    z = jax.nn.relu(cat @ W_il + b_il)
    return z @ W_io + b_io  # [B, 1]

if __name__ == "__main__":
    import jax
    _d = setup_inputs()
    print(jax.jit(kernel)(*tuple(_d.values())))

</pallas_src>

<mosaic_0001>
#map = affine_map<(d0, d1) -> (0, 0)>
#map1 = affine_map<(d0, d1) -> (0, 0, 0, 0, 0)>
#map2 = affine_map<(d0, d1) -> (0, 0, 0)>
module attributes {stable_mosaic.version = 14 : i64} {
  func.func @seg_kernel(%arg0: i32, %arg1: i32, %arg2: memref<10000x128xf32, #tpu.memory_space<hbm>>, %arg3: memref<32x5x2x16x128xi32, #tpu.memory_space<hbm>>, %arg4: memref<2x10112x128xf32, #tpu.memory_space<hbm>>, %arg5: memref<2x16x128xi32, #tpu.memory_space<vmem>>, %arg6: memref<128x128xf32, #tpu.memory_space<vmem>>, %arg7: memref<128x128xf32, #tpu.memory_space<vmem>>, %arg8: memref<!tpu.dma_semaphore, #tpu.memory_space<semaphore_mem>>, %arg9: memref<!tpu.dma_semaphore, #tpu.memory_space<semaphore_mem>>, %arg10: memref<!tpu.dma_semaphore, #tpu.memory_space<semaphore_mem>>, %arg11: memref<!tpu.dma_semaphore, #tpu.memory_space<semaphore_mem>>, %arg12: memref<10112x128xf32, #tpu.memory_space<vmem_shared>>) attributes {dimension_semantics = [#tpu.dimension_semantics<core_parallel>, #tpu.dimension_semantics<subcore_parallel>], iteration_bounds = array<i64: 2, 16>, scalar_prefetch = 0 : i64, scratch_operands = 8 : i64, tpu.core_type = #tpu.core_type<sc_vector_subcore>, window_params = [{transform_indices = #map}, {transform_indices = #map1}, {transform_indices = #map2}]} {
    %mul3A = arith.constant 16 : i32
    %mul3A_0 = arith.muli %arg0, %mul3A : i32
    %add3A = arith.addi %mul3A_0, %arg1 : i32
    %broadcast_in_dim3A = arith.constant 0.000000e+00 : f32
    %broadcast_in_dim3A_1 = vector.broadcast %broadcast_in_dim3A : f32 to vector<16xf32>
    %scan3A = arith.constant 0 : i32
    %scan3A_2 = arith.constant 0 : i32
    %scan3A_3 = arith.constant 128 : i32
    %scan3A_4 = arith.addi %scan3A_2, %scan3A_3 : i32
    %scan3A_5 = arith.constant 1 : i32
    %scan3A_6 = scf.for %scan3A_32 = %scan3A_2 to %scan3A_4 step %scan3A_5 iter_args(%scan3A_33 = %scan3A) -> (i32)  : i32 {
      %scan3A_34 = arith.constant 0 : i32
      %scan3A_35 = arith.constant 0 : i32
      %scan3A_36 = arith.constant 8 : i32
      %scan3A_37 = arith.addi %scan3A_35, %scan3A_36 : i32
      %scan3A_38 = arith.constant 1 : i32
      %scan3A_39 = scf.for %scan3A_42 = %scan3A_35 to %scan3A_37 step %scan3A_38 iter_args(%scan3A_43 = %scan3A_34) -> (i32)  : i32 {
        %mul3A_44 = arith.constant 16 : i32
        %mul3A_45 = arith.muli %scan3A_42, %mul3A_44 : i32
        %swap3A = arith.index_cast %scan3A_32 : i32 to index
        %swap3A_46 = arith.index_cast %mul3A_45 : i32 to index
        %swap3A_47 = tpu.vector_load %arg6[%swap3A, %swap3A_46] {strides = array<i32>} : memref<128x128xf32, #tpu.memory_space<vmem>>, vector<1x16xf32>,
        %swap3A_48 = vector.shape_cast %swap3A_47 : vector<1x16xf32> to vector<16xf32>
        %swap3A_49 = vector.shape_cast %broadcast_in_dim3A_1 : vector<16xf32> to vector<1x16xf32>
        tpu.vector_store %arg6[%swap3A, %swap3A_46], %swap3A_49 {strides = array<i32>} : memref<128x128xf32, #tpu.memory_space<vmem>>, vector<1x16xf32>,
        %scan3A_50 = arith.constant 0 : i32
        scf.yield %scan3A_50 : i32
      }
      %scan3A_40 = arith.constant 8 : i32
      %scan3A_41 = arith.constant 0 : i32
      scf.yield %scan3A_41 : i32
    }
    %scan3A_7 = arith.constant 128 : i32
    %mul3A_8 = arith.constant 632 : i32
    %mul3A_9 = arith.muli %arg1, %mul3A_8 : i32
    %add3A_10 = arith.constant 0 : i32
    %add3A_11 = arith.addi %mul3A_9, %add3A_10 : i32
    "tpu.region"() ({
      %run_scoped3A = tpu.sem_alloc : memref<!tpu.dma_semaphore, #tpu.memory_space<semaphore_mem>>
      %dma_start3A = arith.constant 0 : i32
      %dma_start3A_32 = tpu.memref_slice %arg12[%add3A_11, %dma_start3A] : memref<10112x128xf32, #tpu.memory_space<vmem_shared>> -> memref<128x128xf32, #tpu.memory_space<vmem_shared>>
      %dma_start3A_33 = arith.constant 0 : i32
      %dma_start3A_34 = tpu.memref_slice %arg12[%add3A_11, %dma_start3A_33] : memref<10112x128xf32, #tpu.memory_space<vmem_shared>> -> memref<128x128xf32, #tpu.memory_space<vmem_shared>>
      tpu.enqueue_dma source(%arg6 : memref<128x128xf32, #tpu.memory_space<vmem>>) target(%dma_start3A_34 : memref<128x128xf32, #tpu.memory_space<vmem_shared>>) target_semaphore(%run_scoped3A : memref<!tpu.dma_semaphore, #tpu.memory_space<semaphore_mem>>)
      %dma_wait3A = arith.constant 0 : i32
      %dma_wait3A_35 = tpu.memref_slice %arg12[%add3A_11, %dma_wait3A] : memref<10112x128xf32, #tpu.memory_space<vmem_shared>> -> memref<128x128xf32, #tpu.memory_space<vmem_shared>>
      %dma_wait3A_36 = arith.constant 0 : i32
      %dma_wait3A_37 = tpu.memref_slice %arg12[%add3A_11, %dma_wait3A_36] : memref<10112x128xf32, #tpu.memory_space<vmem_shared>> -> memref<128x128xf32, #tpu.memory_space<vmem_shared>>
      tpu.wait_dma2 semaphore(%run_scoped3A : memref<!tpu.dma_semaphore, #tpu.memory_space<semaphore_mem>>) src(%arg6 : memref<128x128xf32, #tpu.memory_space<vmem>>) dst(%dma_wait3A_37 : memref<128x128xf32, #tpu.memory_space<vmem_shared>>)
      tpu.yield
    }) : () -> ()
    %add3A_12 = arith.constant 128 : i32
    %add3A_13 = arith.addi %mul3A_9, %add3A_12 : i32
    "tpu.region"() ({
      %run_scoped3A = tpu.sem_alloc : memref<!tpu.dma_semaphore, #tpu.memory_space<semaphore_mem>>
      %dma_start3A = arith.constant 0 : i32
      %dma_start3A_32 = tpu.memref_slice %arg12[%add3A_13, %dma_start3A] : memref<10112x128xf32, #tpu.memory_space<vmem_shared>> -> memref<128x128xf32, #tpu.memory_space<vmem_shared>>
      %dma_start3A_33 = arith.constant 0 : i32
      %dma_start3A_34 = tpu.memref_slice %arg12[%add3A_13, %dma_start3A_33] : memref<10112x128xf32, #tpu.memory_space<vmem_shared>> -> memref<128x128xf32, #tpu.memory_space<vmem_shared>>
      tpu.enqueue_dma source(%arg6 : memref<128x128xf32, #tpu.memory_space<vmem>>) target(%dma_start3A_34 : memref<128x128xf32, #tpu.memory_space<vmem_shared>>) target_semaphore(%run_scoped3A : memref<!tpu.dma_semaphore, #tpu.memory_space<semaphore_mem>>)
      %dma_wait3A = arith.constant 0 : i32
      %dma_wait3A_35 = tpu.memref_slice %arg12[%add3A_13, %dma_wait3A] : memref<10112x128xf32, #tpu.memory_space<vmem_shared>> -> memref<128x128xf32, #tpu.memory_space<vmem_shared>>
      %dma_wait3A_36 = arith.constant 0 : i32
      %dma_wait3A_37 = tpu.memref_slice %arg12[%add3A_13, %dma_wait3A_36] : memref<10112x128xf32, #tpu.memory_space<vmem_shared>> -> memref<128x128xf32, #tpu.memory_space<vmem_shared>>
      tpu.wait_dma2 semaphore(%run_scoped3A : memref<!tpu.dma_semaphore, #tpu.memory_space<semaphore_mem>>) src(%arg6 : memref<128x128xf32, #tpu.memory_space<vmem>>) dst(%dma_wait3A_37 : memref<128x128xf32, #tpu.memory_space<vmem_shared>>)
      tpu.yield
    }) : () -> ()
    %add3A_14 = arith.constant 256 : i32
    %add3A_15 = arith.addi %mul3A_9, %add3A_14 : i32
    "tpu.region"() ({
      %run_scoped3A = tpu.sem_alloc : memref<!tpu.dma_semaphore, #tpu.memory_space<semaphore_mem>>
      %dma_start3A = arith.constant 0 : i32
      %dma_start3A_32 = tpu.memref_slice %arg12[%add3A_15, %dma_start3A] : memref<10112x128xf32, #tpu.memory_space<vmem_shared>> -> memref<128x128xf32, #tpu.memory_space<vmem_shared>>
      %dma_start3A_33 = arith.constant 0 : i32
      %dma_start3A_34 = tpu.memref_slice %arg12[%add3A_15, %dma_start3A_33] : memref<10112x128xf32, #tpu.memory_space<vmem_shared>> -> memref<128x128xf32, #tpu.memory_space<vmem_shared>>
      tpu.enqueue_dma source(%arg6 : memref<128x128xf32, #tpu.memory_space<vmem>>) target(%dma_start3A_34 : memref<128x128xf32, #tpu.memory_space<vmem_shared>>) target_semaphore(%run_scoped3A : memref<!tpu.dma_semaphore, #tpu.memory_space<semaphore_mem>>)
      %dma_wait3A = arith.constant 0 : i32
      %dma_wait3A_35 = tpu.memref_slice %arg12[%add3A_15, %dma_wait3A] : memref<10112x128xf32, #tpu.memory_space<vmem_shared>> -> memref<128x128xf32, #tpu.memory_space<vmem_shared>>
      %dma_wait3A_36 = arith.constant 0 : i32
      %dma_wait3A_37 = tpu.memref_slice %arg12[%add3A_15, %dma_wait3A_36] : memref<10112x128xf32, #tpu.memory_space<vmem_shared>> -> memref<128x128xf32, #tpu.memory_space<vmem_shared>>
      tpu.wait_dma2 semaphore(%run_scoped3A : memref<!tpu.dma_semaphore, #tpu.memory_space<semaphore_mem>>) src(%arg6 : memref<128x128xf32, #tpu.memory_space<vmem>>) dst(%dma_wait3A_37 : memref<128x128xf32, #tpu.memory_space<vmem_shared>>)
      tpu.yield
    }) : () -> ()
    %add3A_16 = arith.constant 384 : i32
    %add3A_17 = arith.addi %mul3A_9, %add3A_16 : i32
    "tpu.region"() ({
      %run_scoped3A = tpu.sem_alloc : memref<!tpu.dma_semaphore, #tpu.memory_space<semaphore_mem>>
      %dma_start3A = arith.constant 0 : i32
      %dma_start3A_32 = tpu.memref_slice %arg12[%add3A_17, %dma_start3A] : memref<10112x128xf32, #tpu.memory_space<vmem_shared>> -> memref<128x128xf32, #tpu.memory_space<vmem_shared>>
      %dma_start3A_33 = arith.constant 0 : i32
      %dma_start3A_34 = tpu.memref_slice %arg12[%add3A_17, %dma_start3A_33] : memref<10112x128xf32, #tpu.memory_space<vmem_shared>> -> memref<128x128xf32, #tpu.memory_space<vmem_shared>>
      tpu.enqueue_dma source(%arg6 : memref<128x128xf32, #tpu.memory_space<vmem>>) target(%dma_start3A_34 : memref<128x128xf32, #tpu.memory_space<vmem_shared>>) target_semaphore(%run_scoped3A : memref<!tpu.dma_semaphore, #tpu.memory_space<semaphore_mem>>)
      %dma_wait3A = arith.constant 0 : i32
      %dma_wait3A_35 = tpu.memref_slice %arg12[%add3A_17, %dma_wait3A] : memref<10112x128xf32, #tpu.memory_space<vmem_shared>> -> memref<128x128xf32, #tpu.memory_space<vmem_shared>>
      %dma_wait3A_36 = arith.constant 0 : i32
      %dma_wait3A_37 = tpu.memref_slice %arg12[%add3A_17, %dma_wait3A_36] : memref<10112x128xf32, #tpu.memory_space<vmem_shared>> -> memref<128x128xf32, #tpu.memory_space<vmem_shared>>
      tpu.wait_dma2 semaphore(%run_scoped3A : memref<!tpu.dma_semaphore, #tpu.memory_space<semaphore_mem>>) src(%arg6 : memref<128x128xf32, #tpu.memory_space<vmem>>) dst(%dma_wait3A_37 : memref<128x128xf32, #tpu.memory_space<vmem_shared>>)
      tpu.yield
    }) : () -> ()
    %add3A_18 = arith.constant 512 : i32
    %add3A_19 = arith.addi %mul3A_9, %add3A_18 : i32
    "tpu.region"() ({
      %run_scoped3A = tpu.sem_alloc : memref<!tpu.dma_semaphore, #tpu.memory_space<semaphore_mem>>
      %dma_start3A = arith.constant 0 : i32
      %dma_start3A_32 = arith.constant 0 : i32
      %dma_start3A_33 = tpu.memref_slice %arg6[%dma_start3A, %dma_start3A_32] : memref<128x128xf32, #tpu.memory_space<vmem>> -> memref<120x128xf32, #tpu.memory_space<vmem>>
      %dma_start3A_34 = arith.constant 0 : i32
      %dma_start3A_35 = tpu.memref_slice %arg12[%add3A_19, %dma_start3A_34] : memref<10112x128xf32, #tpu.memory_space<vmem_shared>> -> memref<120x128xf32, #tpu.memory_space<vmem_shared>>
      %dma_start3A_36 = arith.constant 0 : i32
      %dma_start3A_37 = tpu.memref_slice %arg12[%add3A_19, %dma_start3A_36] : memref<10112x128xf32, #tpu.memory_space<vmem_shared>> -> memref<120x128xf32, #tpu.memory_space<vmem_shared>>
      %dma_start3A_38 = arith.constant 0 : i32
      %dma_start3A_39 = arith.constant 0 : i32
      %dma_start3A_40 = tpu.memref_slice %arg6[%dma_start3A_38, %dma_start3A_39] : memref<128x128xf32, #tpu.memory_space<vmem>> -> memref<120x128xf32, #tpu.memory_space<vmem>>
      tpu.enqueue_dma source(%dma_start3A_40 : memref<120x128xf32, #tpu.memory_space<vmem>>) target(%dma_start3A_37 : memref<120x128xf32, #tpu.memory_space<vmem_shared>>) target_semaphore(%run_scoped3A : memref<!tpu.dma_semaphore, #tpu.memory_space<semaphore_mem>>)
      %dma_wait3A = arith.constant 0 : i32
      %dma_wait3A_41 = arith.constant 0 : i32
      %dma_wait3A_42 = tpu.memref_slice %arg6[%dma_wait3A, %dma_wait3A_41] : memref<128x128xf32, #tpu.memory_space<vmem>> -> memref<120x128xf32, #tpu.memory_space<vmem>>
      %dma_wait3A_43 = arith.constant 0 : i32
      %dma_wait3A_44 = tpu.memref_slice %arg12[%add3A_19, %dma_wait3A_43] : memref<10112x128xf32, #tpu.memory_space<vmem_shared>> -> memref<120x128xf32, #tpu.memory_space<vmem_shared>>
      %dma_wait3A_45 = arith.constant 0 : i32
      %dma_wait3A_46 = tpu.memref_slice %arg12[%add3A_19, %dma_wait3A_45] : memref<10112x128xf32, #tpu.memory_space<vmem_shared>> -> memref<120x128xf32, #tpu.memory_space<vmem_shared>>
      %dma_wait3A_47 = arith.constant 0 : i32
      %dma_wait3A_48 = arith.constant 0 : i32
      %dma_wait3A_49 = tpu.memref_slice %arg6[%dma_wait3A_47, %dma_wait3A_48] : memref<128x128xf32, #tpu.memory_space<vmem>> -> memref<120x128xf32, #tpu.memory_space<vmem>>
      tpu.wait_dma2 semaphore(%run_scoped3A : memref<!tpu.dma_semaphore, #tpu.memory_space<semaphore_mem>>) src(%dma_wait3A_49 : memref<120x128xf32, #tpu.memory_space<vmem>>) dst(%dma_wait3A_46 : memref<120x128xf32, #tpu.memory_space<vmem_shared>>)
      tpu.yield
    }) : () -> ()
    %barrier3A = arith.constant 0 : index
    tpu.barrier barrier_id(%barrier3A)
    %scan3A_20 = arith.constant 0 : i32
    %scan3A_21 = arith.constant 0 : i32
    %scan3A_22 = arith.constant 5 : i32
    %scan3A_23 = arith.addi %scan3A_21, %scan3A_22 : i32
    %scan3A_24 = arith.constant 1 : i32
    %scan3A_25 = scf.for %scan3A_32 = %scan3A_21 to %scan3A_23 step %scan3A_24 iter_args(%scan3A_33 = %scan3A_20) -> (i32)  : i32 {
      "tpu.region"() ({
        %run_scoped3A = tpu.sem_alloc : memref<!tpu.dma_semaphore, #tpu.memory_space<semaphore_mem>>
        %dma_start3A_56 = arith.constant 0 : i32
        %dma_start3A_57 = arith.constant 0 : i32
        %dma_start3A_58 = arith.constant 0 : i32
        %dma_start3A_59 = tpu.memref_slice %arg3[%add3A, %scan3A_32, %dma_start3A_56, %dma_start3A_57, %dma_start3A_58] : memref<32x5x2x16x128xi32, #tpu.memory_space<hbm>> -> memref<1x1x2x16x128xi32, #tpu.memory_space<hbm>>
        %dma_start3A_60 = tpu.memref_squeeze %dma_start3A_59 : memref<1x1x2x16x128xi32, #tpu.memory_space<hbm>> -> memref<2x16x128xi32, #tpu.memory_space<hbm>>
        %dma_start3A_61 = arith.constant 0 : i32
        %dma_start3A_62 = arith.constant 0 : i32
        %dma_start3A_63 = arith.constant 0 : i32
        %dma_start3A_64 = tpu.memref_slice %arg3[%add3A, %scan3A_32, %dma_start3A_61, %dma_start3A_62, %dma_start3A_63] : memref<32x5x2x16x128xi32, #tpu.memory_space<hbm>> -> memref<1x1x2x16x128xi32, #tpu.memory_space<hbm>>
        %dma_start3A_65 = tpu.memref_squeeze %dma_start3A_64 : memref<1x1x2x16x128xi32, #tpu.memory_space<hbm>> -> memref<2x16x128xi32, #tpu.memory_space<hbm>>
        tpu.enqueue_dma source(%dma_start3A_65 : memref<2x16x128xi32, #tpu.memory_space<hbm>>) target(%arg5 : memref<2x16x128xi32, #tpu.memory_space<vmem>>) target_semaphore(%run_scoped3A : memref<!tpu.dma_semaphore, #tpu.memory_space<semaphore_mem>>)
        %dma_wait3A_66 = arith.constant 0 : i32
        %dma_wait3A_67 = arith.constant 0 : i32
        %dma_wait3A_68 = arith.constant 0 : i32
        %dma_wait3A_69 = tpu.memref_slice %arg3[%add3A, %scan3A_32, %dma_wait3A_66, %dma_wait3A_67, %dma_wait3A_68] : memref<32x5x2x16x128xi32, #tpu.memory_space<hbm>> -> memref<1x1x2x16x128xi32, #tpu.memory_space<hbm>>
        %dma_wait3A_70 = tpu.memref_squeeze %dma_wait3A_69 : memref<1x1x2x16x128xi32, #tpu.memory_space<hbm>> -> memref<2x16x128xi32, #tpu.memory_space<hbm>>
        %dma_wait3A_71 = arith.constant 0 : i32
        %dma_wait3A_72 = arith.constant 0 : i32
        %dma_wait3A_73 = arith.constant 0 : i32
        %dma_wait3A_74 = tpu.memref_slice %arg3[%add3A, %scan3A_32, %dma_wait3A_71, %dma_wait3A_72, %dma_wait3A_73] : memref<32x5x2x16x128xi32, #tpu.memory_space<hbm>> -> memref<1x1x2x16x128xi32, #tpu.memory_space<hbm>>
        %dma_wait3A_75 = tpu.memref_squeeze %dma_wait3A_74 : memref<1x1x2x16x128xi32, #tpu.memory_space<hbm>> -> memref<2x16x128xi32, #tpu.memory_space<hbm>>
        tpu.wait_dma2 semaphore(%run_scoped3A : memref<!tpu.dma_semaphore, #tpu.memory_space<semaphore_mem>>) src(%dma_wait3A_75 : memref<2x16x128xi32, #tpu.memory_space<hbm>>) dst(%arg5 : memref<2x16x128xi32, #tpu.memory_space<vmem>>)
        tpu.yield
      }) : () -> ()
      %dma_start3A = arith.constant 0 : i32
      %dma_start3A_34 = arith.constant 0 : i32
      %dma_start3A_35 = arith.constant 0 : i32
      %dma_start3A_36 = tpu.memref_slice %arg5[%dma_start3A, %dma_start3A_34, %dma_start3A_35] : memref<2x16x128xi32, #tpu.memory_space<vmem>> -> memref<1x1x128xi32, #tpu.memory_space<vmem>>
      %dma_start3A_37 = tpu.memref_squeeze %dma_start3A_36 : memref<1x1x128xi32, #tpu.memory_space<vmem>> -> memref<128xi32, #tpu.memory_space<vmem>>
      %dma_start3A_38 = arith.constant 0 : i32
      %dma_start3A_39 = arith.constant 0 : i32
      %dma_start3A_40 = tpu.memref_slice %arg2[%dma_start3A_38, %dma_start3A_39] : memref<10000x128xf32, #tpu.memory_space<hbm>> -> memref<10000x128xf32, #tpu.memory_space<hbm>>
      tpu.enqueue_indirect_dma source(%dma_start3A_40 : memref<10000x128xf32, #tpu.memory_space<hbm>>) target(%arg6 : memref<128x128xf32, #tpu.memory_space<vmem>>) offsets(%dma_start3A_37 : memref<128xi32, #tpu.memory_space<vmem>>) semaphore(%arg8 : memref<!tpu.dma_semaphore, #tpu.memory_space<semaphore_mem>>)
      %scan3A_41 = arith.constant 0 : i32
      %scan3A_42 = arith.constant 0 : i32
      %scan3A_43 = arith.constant 16 : i32
      %scan3A_44 = arith.addi %scan3A_42, %scan3A_43 : i32
      %scan3A_45 = arith.constant 1 : i32
      %scan3A_46 = scf.for %scan3A_56 = %scan3A_42 to %scan3A_44 step %scan3A_45 iter_args(%scan3A_57 = %scan3A_41) -> (i32)  : i32 {
        %rem3A = arith.constant 2 : i32
        %rem3A_58 = arith.remsi %scan3A_56, %rem3A : i32
        %eq3A = arith.constant 0 : i32
        %eq3A_59 = arith.cmpi eq, %rem3A_58, %eq3A : i32
        %convert_element_type3A = arith.extui %eq3A_59 : i1 to i32
        %cond3A = arith.constant 0 : i32
        %cond3A_60 = arith.cmpi ne, %convert_element_type3A, %cond3A : i32
        scf.if %cond3A_60 {
          %dma_wait3A_69 = arith.constant 0 : i32
          %dma_wait3A_70 = arith.constant 0 : i32
          %dma_wait3A_71 = tpu.memref_slice %arg5[%dma_wait3A_69, %scan3A_56, %dma_wait3A_70] : memref<2x16x128xi32, #tpu.memory_space<vmem>> -> memref<1x1x128xi32, #tpu.memory_space<vmem>>
          %dma_wait3A_72 = tpu.memref_squeeze %dma_wait3A_71 : memref<1x1x128xi32, #tpu.memory_space<vmem>> -> memref<128xi32, #tpu.memory_space<vmem>>
          %dma_wait3A_73 = arith.constant 0 : i32
          %dma_wait3A_74 = arith.constant 0 : i32
          %dma_wait3A_75 = tpu.memref_slice %arg2[%dma_wait3A_73, %dma_wait3A_74] : memref<10000x128xf32, #tpu.memory_space<hbm>> -> memref<10000x128xf32, #tpu.memory_space<hbm>>
          tpu.wait_indirect_dma semaphore(%arg8 : memref<!tpu.dma_semaphore, #tpu.memory_space<semaphore_mem>>) src(%dma_wait3A_75 : memref<10000x128xf32, #tpu.memory_space<hbm>>) dst(%arg6 : memref<128x128xf32, #tpu.memory_space<vmem>>)
          %dma_start3A_76 = arith.constant 1 : i32
          %dma_start3A_77 = arith.constant 0 : i32
          %dma_start3A_78 = tpu.memref_slice %arg5[%dma_start3A_76, %scan3A_56, %dma_start3A_77] : memref<2x16x128xi32, #tpu.memory_space<vmem>> -> memref<1x1x128xi32, #tpu.memory_space<vmem>>
          %dma_start3A_79 = tpu.memref_squeeze %dma_start3A_78 : memref<1x1x128xi32, #tpu.memory_space<vmem>> -> memref<128xi32, #tpu.memory_space<vmem>>
          %dma_start3A_80 = arith.constant 0 : i32
          %dma_start3A_81 = arith.constant 0 : i32
          %dma_start3A_82 = tpu.memref_slice %arg12[%dma_start3A_80, %dma_start3A_81] : memref<10112x128xf32, #tpu.memory_space<vmem_shared>> -> memref<10112x128xf32, #tpu.memory_space<vmem_shared>>
          tpu.enqueue_indirect_dma source(%arg6 : memref<128x128xf32, #tpu.memory_space<vmem>>) target(%dma_start3A_82 : memref<10112x128xf32, #tpu.memory_space<vmem_shared>>) offsets(%dma_start3A_79 : memref<128xi32, #tpu.memory_space<vmem>>) semaphore(%arg10 : memref<!tpu.dma_semaphore, #tpu.memory_space<semaphore_mem>>) {add = true}
          %ge3A = arith.constant 1 : i32
          %ge3A_83 = arith.cmpi sge, %scan3A_56, %ge3A : i32
          %convert_element_type3A_84 = arith.extui %ge3A_83 : i1 to i32
          %cond3A_85 = arith.constant 0 : i32
          %cond3A_86 = arith.cmpi ne, %convert_element_type3A_84, %cond3A_85 : i32
          scf.if %cond3A_86 {
            %sub3A = arith.constant 1 : i32
            %sub3A_93 = arith.subi %scan3A_56, %sub3A : i32
            %dma_wait3A_94 = arith.constant 1 : i32
            %dma_wait3A_95 = arith.constant 0 : i32
            %dma_wait3A_96 = tpu.memref_slice %arg5[%dma_wait3A_94, %sub3A_93, %dma_wait3A_95] : memref<2x16x128xi32, #tpu.memory_space<vmem>> -> memref<1x1x128xi32, #tpu.memory_space<vmem>>
            %dma_wait3A_97 = tpu.memref_squeeze %dma_wait3A_96 : memref<1x1x128xi32, #tpu.memory_space<vmem>> -> memref<128xi32, #tpu.memory_space<vmem>>
            %dma_wait3A_98 = arith.constant 0 : i32
            %dma_wait3A_99 = arith.constant 0 : i32
            %dma_wait3A_100 = tpu.memref_slice %arg12[%dma_wait3A_98, %dma_wait3A_99] : memref<10112x128xf32, #tpu.memory_space<vmem_shared>> -> memref<10112x128xf32, #tpu.memory_space<vmem_shared>>
            tpu.wait_indirect_dma semaphore(%arg11 : memref<!tpu.dma_semaphore, #tpu.memory_space<semaphore_mem>>) src(%arg7 : memref<128x128xf32, #tpu.memory_space<vmem>>) dst(%dma_wait3A_100 : memref<10112x128xf32, #tpu.memory_space<vmem_shared>>)
          } else {
          }
          %add3A_87 = arith.constant 1 : i32
          %add3A_88 = arith.addi %scan3A_56, %add3A_87 : i32
          %lt3A = arith.constant 16 : i32
          %lt3A_89 = arith.cmpi slt, %add3A_88, %lt3A : i32
          %convert_element_type3A_90 = arith.extui %lt3A_89 : i1 to i32
          %cond3A_91 = arith.constant 0 : i32
          %cond3A_92 = arith.cmpi ne, %convert_element_type3A_90, %cond3A_91 : i32
          scf.if %cond3A_92 {
            %add3A_93 = arith.constant 1 : i32
            %add3A_94 = arith.addi %scan3A_56, %add3A_93 : i32
            %dma_start3A_95 = arith.constant 0 : i32
            %dma_start3A_96 = arith.constant 0 : i32
            %dma_start3A_97 = tpu.memref_slice %arg5[%dma_start3A_95, %add3A_94, %dma_start3A_96] : memref<2x16x128xi32, #tpu.memory_space<vmem>> -> memref<1x1x128xi32, #tpu.memory_space<vmem>>
            %dma_start3A_98 = tpu.memref_squeeze %dma_start3A_97 : memref<1x1x128xi32, #tpu.memory_space<vmem>> -> memref<128xi32, #tpu.memory_space<vmem>>
            %dma_start3A_99 = arith.constant 0 : i32
            %dma_start3A_100 = arith.constant 0 : i32
            %dma_start3A_101 = tpu.memref_slice %arg2[%dma_start3A_99, %dma_start3A_100] : memref<10000x128xf32, #tpu.memory_space<hbm>> -> memref<10000x128xf32, #tpu.memory_space<hbm>>
            tpu.enqueue_indirect_dma source(%dma_start3A_101 : memref<10000x128xf32, #tpu.memory_space<hbm>>) target(%arg7 : memref<128x128xf32, #tpu.memory_space<vmem>>) offsets(%dma_start3A_98 : memref<128xi32, #tpu.memory_space<vmem>>) semaphore(%arg9 : memref<!tpu.dma_semaphore, #tpu.memory_space<semaphore_mem>>)
          } else {
          }
        } else {
        }
        %rem3A_61 = arith.constant 2 : i32
        %rem3A_62 = arith.remsi %scan3A_56, %rem3A_61 : i32
        %eq3A_63 = arith.constant 1 : i32
        %eq3A_64 = arith.cmpi eq, %rem3A_62, %eq3A_63 : i32
        %convert_element_type3A_65 = arith.extui %eq3A_64 : i1 to i32
        %cond3A_66 = arith.constant 0 : i32
        %cond3A_67 = arith.cmpi ne, %convert_element_type3A_65, %cond3A_66 : i32
        scf.if %cond3A_67 {
          %dma_wait3A_69 = arith.constant 0 : i32
          %dma_wait3A_70 = arith.constant 0 : i32
          %dma_wait3A_71 = tpu.memref_slice %arg5[%dma_wait3A_69, %scan3A_56, %dma_wait3A_70] : memref<2x16x128xi32, #tpu.memory_space<vmem>> -> memref<1x1x128xi32, #tpu.memory_space<vmem>>
          %dma_wait3A_72 = tpu.memref_squeeze %dma_wait3A_71 : memref<1x1x128xi32, #tpu.memory_space<vmem>> -> memref<128xi32, #tpu.memory_space<vmem>>
          %dma_wait3A_73 = arith.constant 0 : i32
          %dma_wait3A_74 = arith.constant 0 : i32
          %dma_wait3A_75 = tpu.memref_slice %arg2[%dma_wait3A_73, %dma_wait3A_74] : memref<10000x128xf32, #tpu.memory_space<hbm>> -> memref<10000x128xf32, #tpu.memory_space<hbm>>
          tpu.wait_indirect_dma semaphore(%arg9 : memref<!tpu.dma_semaphore, #tpu.memory_space<semaphore_mem>>) src(%dma_wait3A_75 : memref<10000x128xf32, #tpu.memory_space<hbm>>) dst(%arg7 : memref<128x128xf32, #tpu.memory_space<vmem>>)
          %dma_start3A_76 = arith.constant 1 : i32
          %dma_start3A_77 = arith.constant 0 : i32
          %dma_start3A_78 = tpu.memref_slice %arg5[%dma_start3A_76, %scan3A_56, %dma_start3A_77] : memref<2x16x128xi32, #tpu.memory_space<vmem>> -> memref<1x1x128xi32, #tpu.memory_space<vmem>>
          %dma_start3A_79 = tpu.memref_squeeze %dma_start3A_78 : memref<1x1x128xi32, #tpu.memory_space<vmem>> -> memref<128xi32, #tpu.memory_space<vmem>>
          %dma_start3A_80 = arith.constant 0 : i32
          %dma_start3A_81 = arith.constant 0 : i32
          %dma_start3A_82 = tpu.memref_slice %arg12[%dma_start3A_80, %dma_start3A_81] : memref<10112x128xf32, #tpu.memory_space<vmem_shared>> -> memref<10112x128xf32, #tpu.memory_space<vmem_shared>>
          tpu.enqueue_indirect_dma source(%arg7 : memref<128x128xf32, #tpu.memory_space<vmem>>) target(%dma_start3A_82 : memref<10112x128xf32, #tpu.memory_space<vmem_shared>>) offsets(%dma_start3A_79 : memref<128xi32, #tpu.memory_space<vmem>>) semaphore(%arg11 : memref<!tpu.dma_semaphore, #tpu.memory_space<semaphore_mem>>) {add = true}
          %sub3A = arith.constant 1 : i32
          %sub3A_83 = arith.subi %scan3A_56, %sub3A : i32
          %dma_wait3A_84 = arith.constant 1 : i32
          %dma_wait3A_85 = arith.constant 0 : i32
          %dma_wait3A_86 = tpu.memref_slice %arg5[%dma_wait3A_84, %sub3A_83, %dma_wait3A_85] : memref<2x16x128xi32, #tpu.memory_space<vmem>> -> memref<1x1x128xi32, #tpu.memory_space<vmem>>
          %dma_wait3A_87 = tpu.memref_squeeze %dma_wait3A_86 : memref<1x1x128xi32, #tpu.memory_space<vmem>> -> memref<128xi32, #tpu.memory_space<vmem>>
          %dma_wait3A_88 = arith.constant 0 : i32
          %dma_wait3A_89 = arith.constant 0 : i32
          %dma_wait3A_90 = tpu.memref_slice %arg12[%dma_wait3A_88, %dma_wait3A_89] : memref<10112x128xf32, #tpu.memory_space<vmem_shared>> -> memref<10112x128xf32, #tpu.memory_space<vmem_shared>>
          tpu.wait_indirect_dma semaphore(%arg10 : memref<!tpu.dma_semaphore, #tpu.memory_space<semaphore_mem>>) src(%arg6 : memref<128x128xf32, #tpu.memory_space<vmem>>) dst(%dma_wait3A_90 : memref<10112x128xf32, #tpu.memory_space<vmem_shared>>)
          %add3A_91 = arith.constant 1 : i32
          %add3A_92 = arith.addi %scan3A_56, %add3A_91 : i32
          %lt3A = arith.constant 16 : i32
          %lt3A_93 = arith.cmpi slt, %add3A_92, %lt3A : i32
          %convert_element_type3A_94 = arith.extui %lt3A_93 : i1 to i32
          %cond3A_95 = arith.constant 0 : i32
          %cond3A_96 = arith.cmpi ne, %convert_element_type3A_94, %cond3A_95 : i32
          scf.if %cond3A_96 {
            %add3A_97 = arith.constant 1 : i32
            %add3A_98 = arith.addi %scan3A_56, %add3A_97 : i32
            %dma_start3A_99 = arith.constant 0 : i32
            %dma_start3A_100 = arith.constant 0 : i32
            %dma_start3A_101 = tpu.memref_slice %arg5[%dma_start3A_99, %add3A_98, %dma_start3A_100] : memref<2x16x128xi32, #tpu.memory_space<vmem>> -> memref<1x1x128xi32, #tpu.memory_space<vmem>>
            %dma_start3A_102 = tpu.memref_squeeze %dma_start3A_101 : memref<1x1x128xi32, #tpu.memory_space<vmem>> -> memref<128xi32, #tpu.memory_space<vmem>>
            %dma_start3A_103 = arith.constant 0 : i32
            %dma_start3A_104 = arith.constant 0 : i32
            %dma_start3A_105 = tpu.memref_slice %arg2[%dma_start3A_103, %dma_start3A_104] : memref<10000x128xf32, #tpu.memory_space<hbm>> -> memref<10000x128xf32, #tpu.memory_space<hbm>>
            tpu.enqueue_indirect_dma source(%dma_start3A_105 : memref<10000x128xf32, #tpu.memory_space<hbm>>) target(%arg6 : memref<128x128xf32, #tpu.memory_space<vmem>>) offsets(%dma_start3A_102 : memref<128xi32, #tpu.memory_space<vmem>>) semaphore(%arg8 : memref<!tpu.dma_semaphore, #tpu.memory_space<semaphore_mem>>)
          } else {
          }
        } else {
        }
        %scan3A_68 = arith.constant 0 : i32
        scf.yield %scan3A_68 : i32
      }
      %scan3A_47 = arith.constant 16 : i32
      %dma_wait3A = arith.constant 1 : i32
      %dma_wait3A_48 = arith.constant 15 : i32
      %dma_wait3A_49 = arith.constant 0 : i32
      %dma_wait3A_50 = tpu.memref_slice %arg5[%dma_wait3A, %dma_wait3A_48, %dma_wait3A_49] : memref<2x16x128xi32, #tpu.memory_space<vmem>> -> memref<1x1x128xi32, #tpu.memory_space<vmem>>
      %dma_wait3A_51 = tpu.memref_squeeze %dma_wait3A_50 : memref<1x1x128xi32, #tpu.memory_space<vmem>> -> memref<128xi32, #tpu.memory_space<vmem>>
      %dma_wait3A_52 = arith.constant 0 : i32
      %dma_wait3A_53 = arith.constant 0 : i32
      %dma_wait3A_54 = tpu.memref_slice %arg12[%dma_wait3A_52, %dma_wait3A_53] : memref<10112x128xf32, #tpu.memory_space<vmem_shared>> -> memref<10112x128xf32, #tpu.memory_space<vmem_shared>>
      tpu.wait_indirect_dma semaphore(%arg11 : memref<!tpu.dma_semaphore, #tpu.memory_space<semaphore_mem>>) src(%arg7 : memref<128x128xf32, #tpu.memory_space<vmem>>) dst(%dma_wait3A_54 : memref<10112x128xf32, #tpu.memory_space<vmem_shared>>)
      %scan3A_55 = arith.constant 0 : i32
      scf.yield %scan3A_55 : i32
    }
    %scan3A_26 = arith.constant 5 : i32
    %barrier3A_27 = arith.constant 0 : index
    tpu.barrier barrier_id(%barrier3A_27)
    %mul3A_28 = arith.constant 632 : i32
    %mul3A_29 = arith.muli %arg1, %mul3A_28 : i32
    %mul3A_30 = arith.constant 632 : i32
    %mul3A_31 = arith.muli %arg1, %mul3A_30 : i32
    "tpu.region"() ({
      %run_scoped3A = tpu.sem_alloc : memref<!tpu.dma_semaphore, #tpu.memory_space<semaphore_mem>>
      %dma_start3A = arith.constant 0 : i32
      %dma_start3A_32 = tpu.memref_slice %arg4[%arg0, %mul3A_31, %dma_start3A] : memref<2x10112x128xf32, #tpu.memory_space<hbm>> -> memref<1x632x128xf32, #tpu.memory_space<hbm>>
      %dma_start3A_33 = tpu.memref_squeeze %dma_start3A_32 : memref<1x632x128xf32, #tpu.memory_space<hbm>> -> memref<632x128xf32, #tpu.memory_space<hbm>>
      %dma_start3A_34 = arith.constant 0 : i32
      %dma_start3A_35 = tpu.memref_slice %arg12[%mul3A_29, %dma_start3A_34] : memref<10112x128xf32, #tpu.memory_space<vmem_shared>> -> memref<632x128xf32, #tpu.memory_space<vmem_shared>>
      tpu.enqueue_dma source(%dma_start3A_35 : memref<632x128xf32, #tpu.memory_space<vmem_shared>>) target(%dma_start3A_33 : memref<632x128xf32, #tpu.memory_space<hbm>>) target_semaphore(%run_scoped3A : memref<!tpu.dma_semaphore, #tpu.memory_space<semaphore_mem>>)
      %dma_wait3A = arith.constant 0 : i32
      %dma_wait3A_36 = tpu.memref_slice %arg4[%arg0, %mul3A_31, %dma_wait3A] : memref<2x10112x128xf32, #tpu.memory_space<hbm>> -> memref<1x632x128xf32, #tpu.memory_space<hbm>>
      %dma_wait3A_37 = tpu.memref_squeeze %dma_wait3A_36 : memref<1x632x128xf32, #tpu.memory_space<hbm>> -> memref<632x128xf32, #tpu.memory_space<hbm>>
      %dma_wait3A_38 = arith.constant 0 : i32
      %dma_wait3A_39 = tpu.memref_slice %arg12[%mul3A_29, %dma_wait3A_38] : memref<10112x128xf32, #tpu.memory_space<vmem_shared>> -> memref<632x128xf32, #tpu.memory_space<vmem_shared>>
      tpu.wait_dma2 semaphore(%run_scoped3A : memref<!tpu.dma_semaphore, #tpu.memory_space<semaphore_mem>>) src(%dma_wait3A_39 : memref<632x128xf32, #tpu.memory_space<vmem_shared>>) dst(%dma_wait3A_37 : memref<632x128xf32, #tpu.memory_space<hbm>>)
      tpu.yield
    }) : () -> ()
    return
  }
}

</mosaic_0001>

<sc_bundles>
// kernel: _segment_sum_sc.3.cloned.1.call-start
scs
__scs_entry_jumppad:
0x0: {  	(pc) =	sbr.rel $0x88, $3  }
0x1: {  	(tag) =	ssettag $0x0;
	lr =	simm.s32 $0x1  }
0x2: {  	[smem:$0x3F9F] =	sst lr;
	_ =	strace $0xD0000000  }
0x3: {  	_ = 	snop  }
0x4: {  	_ = 	snop  }
0x5: {  	_ = 	snop  }
0x6: {  	_ = 	snop  }
0x7: {  	_ = 	snop  }
__scs_overlays_trampoline_lowered:
0x8: {  	[smem:$0x3FAE] =	sst s0  }
0x9: {  	[smem:$0x3FAF] =	sst s1  }
0xa: {  	[smem:$0x3FB0] =	sst s2  }
0xb: {  	[smem:$0x3FB1] =	sst s3  }
0xc: {  	[smem:$0x3FB2] =	sst s4  }
0xd: {  	[smem:$0x3FB3] =	sst s5  }
0xe: {  	[smem:$0x3FB4] =	sst s6  }
0xf: {  	[smem:$0x3FB5] =	sst s7  }
0x10: {  	[smem:$0x3FB6] =	sst s8  }
0x11: {  	[smem:$0x3FB7] =	sst s9;
	s0 =	simm.s32 @!p0 $0x0  }
0x12: {  	s1 =	sld [smem:$0x3F9D];
	s0 =	simm.s32 @p0 $0x1  }
0x13: {  	[smem:$0x3FB8] =	sst s0;
	s0 =	simm.s32 @!p1 $0x0  }
0x14: {  	s2 =	sld [smem:$0x3F9C];
	s0 =	simm.s32 @p1 $0x1  }
0x15: {  	[smem:$0x3FB9] =	sst s0;
	s0 =	simm.s32 @!p2 $0x0  }
0x16: {  	s3 =	sld [smem:$0x3FDB];
	s0 =	simm.s32 @p2 $0x1  }
0x17: {  	s4 =	simm.s32 $0x1BF5;
	[smem:$0x3FBB] =	sst s0  }
0x18: {  	s0 =	sld [smem:$0x3F9E];
	_ =	swait.ge [sflag:s4], $0x0  }
0x19: {  	s7 =	sld [smem:$0x3F9F]  }
0x1a: {  	s8 =	sadd.s32 $0xFFFFE003, lr  }
0x1b: {  	s9 =	sadd.s32 $0xFFFFFEF7, lr;
	s5 =	simm.s32 $0xFFFFFFFF;
	p2 =	slt.u32 s8, $0xFFFFF086  }
0x1c: {  	p1 =	slt.u32 s9, $0xF7A;
	s5 =	simm.s32 @!p2 $0x0  }
0x1d: {  	s5 =	simm.s32 @p1 $0x1;
	p0 =	seq.s32 s7, s2  }
0x1e: {  	s7 =	smul.u32 @!p0 $0xF7A, s2;
	p2 =	seq.s32 @!p0 s5, $0x0  }
0x1f: {  	s9 =	smul.u32 $0xF7A, s1;
	s8 =	simm.s32 @!p0 $0x1BF5;
	p2 =	por !p2, p0  }
0x20: {  	[sflag:s8] =	ssyncset.s32 @!p0 $0xFFFFF086;
	s6 =	sadd.s32 @!p0 s3, s7;
	s7 =	simm.s32 @!p0 $0x108  }
0x21: {  	s3 =	sadd.s32 s3, s9;
	s6 =	sadd.s32 @!p0 $0x88, s6;
	s7 =	simm.s32 @p2 $0x1082  }
0x22: {  	[simem:s7], [sflag:s8] =	dma.local @!p0 [hbm:s6], $0xF7A  }
0x23: {  	s9 =	sor.u32 $0xD0000000, s2;
	s6 =	simm.s32 $0x108;
	_ =	swait.ge @!p0 [sflag:s8], $0x0  }
0x24: {  	s3 =	sadd.s32 $0x88, s3;
	s6 =	simm.s32 @!p1 $0x1082;
	[sflag:s4] =	ssyncset.s32 $0xFFFFF086  }
0x25: {  	[simem:s6], [sflag:s4] =	dma.local [hbm:s3], $0xF7A  }
0x26: {  	[smem:$0x3F9F] =	sst s1;
	(tag) =	ssettag s2;
	_ =	strace s9  }
0x27: {  	s1 =	sld [smem:$0x3FAF]  }
0x28: {  	s2 =	sld [smem:$0x3FB0]  }
0x29: {  	s4 =	sld [smem:$0x3FB2]  }
0x2a: {  	p0 =	seq.s32 s5, $0x0;
	s5 =	sld [smem:$0x3FB3]  }
0x2b: {  	s6 =	sld [smem:$0x3FB4]  }
0x2c: {  	s7 =	sld [smem:$0x3FB5]  }
0x2d: {  	s3 =	simm.s32 $0x108;
	s8 =	sld [smem:$0x3FB6]  }
0x2e: {  	s3 =	simm.s32 @!p0 $0x1082;
	s9 =	sld [smem:$0x3FB7]  }
0x2f: {  	lr =	sadd.s32 s0, s3;
	s0 =	sld [smem:$0x3FAE]  }
0x30: {  	s3 =	sld [smem:$0x3FB1]  }
0x31: {  	[smem:$0x3FBA] =	sst s10  }
0x32: {  	s10 =	sld [smem:$0x3FB8];
	_ =	sdelay $0x3  }
0x33: {  	p0 =	seq.s32 s10, $0x1;
	s10 =	sld [smem:$0x3FBA];
	_ =	sdelay $0x3  }
0x34: {  	[smem:$0x3FBA] =	sst s10  }
0x35: {  	s10 =	sld [smem:$0x3FB9];
	_ =	sdelay $0x3  }
0x36: {  	p1 =	seq.s32 s10, $0x1;
	s10 =	sld [smem:$0x3FBA];
	_ =	sdelay $0x3  }
0x37: {  	[smem:$0x3FBA] =	sst s10  }
0x38: {  	s10 =	sld [smem:$0x3FBB]  }
0x39: {  	_ = 	snop;
	(pc) =	sbr.ind lr, $3  }
0x3a: {  	_ = 	snop  }
0x3b: {  	_ = 	snop  }
0x3c: {  	p2 =	seq.s32 s10, $0x1;
	s10 =	sld [smem:$0x3FBA]  }
0x3d: {  	_ =	shalt  }
0x3e: {  	_ =	shalt  }
0x3f: {  	_ =	shalt  }
0x40: {  	_ =	shalt  }
0x41: {  	_ =	shalt  }
0x42: {  	_ =	shalt  }
0x43: {  	_ =	shalt  }
0x44: {  	_ =	shalt  }
0x45: {  	_ =	shalt  }
0x46: {  	_ =	shalt  }
0x47: {  	_ =	shalt  }
0x48: {  	_ =	shalt  }
0x49: {  	_ =	shalt  }
0x4a: {  	_ =	shalt  }
0x4b: {  	_ =	shalt  }
0x4c: {  	_ =	shalt  }
0x4d: {  	_ =	shalt  }
0x4e: {  	_ =	shalt  }
0x4f: {  	_ =	shalt  }
0x50: {  	_ =	shalt  }
0x51: {  	_ =	shalt  }
0x52: {  	_ =	shalt  }
0x53: {  	_ =	shalt  }
0x54: {  	_ =	shalt  }
0x55: {  	_ =	shalt  }
0x56: {  	_ =	shalt  }
0x57: {  	_ =	shalt  }
0x58: {  	_ =	shalt  }
0x59: {  	_ =	shalt  }
0x5a: {  	_ =	shalt  }
0x5b: {  	_ =	shalt  }
0x5c: {  	_ =	shalt  }
0x5d: {  	_ =	shalt  }
0x5e: {  	_ =	shalt  }
0x5f: {  	_ =	shalt  }
0x60: {  	_ =	shalt  }
0x61: {  	_ =	shalt  }
0x62: {  	_ =	shalt  }
0x63: {  	_ =	shalt  }
0x64: {  	_ =	shalt  }
0x65: {  	_ =	shalt  }
0x66: {  	_ =	shalt  }
0x67: {  	_ =	shalt  }
0x68: {  	_ =	shalt  }
0x69: {  	_ =	shalt  }
0x6a: {  	_ =	shalt  }
0x6b: {  	_ =	shalt  }
0x6c: {  	_ =	shalt  }
0x6d: {  	_ =	shalt  }
0x6e: {  	_ =	shalt  }
0x6f: {  	_ =	shalt  }
0x70: {  	_ =	shalt  }
0x71: {  	_ =	shalt  }
0x72: {  	_ =	shalt  }
0x73: {  	_ =	shalt  }
0x74: {  	_ =	shalt  }
0x75: {  	_ =	shalt  }
0x76: {  	_ =	shalt  }
0x77: {  	_ =	shalt  }
0x78: {  	_ =	shalt  }
0x79: {  	_ =	shalt  }
0x7a: {  	_ =	shalt  }
0x7b: {  	_ =	shalt  }
0x7c: {  	_ =	shalt  }
0x7d: {  	_ =	shalt  }
0x7e: {  	_ =	shalt  }
0x7f: {  	_ =	shalt  }
0x80: {  	_ =	shalt  }
0x81: {  	_ =	shalt  }
0x82: {  	_ =	shalt  }
0x83: {  	_ =	shalt  }
0x84: {  	_ =	shalt  }
0x85: {  	_ =	shalt  }
0x86: {  	_ =	shalt  }
0x87: {  	_ =	shalt  }
.Lfunc_end0:
.L_simem_size_0:
called_computation_lowered:
.L_overlay_start_0:
0x88: {  	s2 =	sld [smem:$0x3FD9]  }
0x89: {  	s3 =	sld [smem:$0x3FFE];
	_ =	sdelay $0x1  }
0x8a: {  	s1 =	srdreg.scid  }
0x8b: {  	s0 =	sand.u32 $0x1, s1  }
0x8c: {  	s18 =	sshll.u32 s0, $0xA;
	s2 =	sadd.s32 s3, s2  }
0x8d: {  	s2 =	sadd.s32 s2, s18  }
0x8e: {  	[smem:$0x3FC6] =	sst s2  }
0x8f: {  	_ = 	snop  }
0x90: {  	s2 =	sld [smem:$0x3FC9]  }
0x91: {  	s19 =	sld [smem:$0x3FC8]  }
0x92: {  	s4 =	sld [smem:$0x3FD0];
	(tm) =	ssettm $0x1  }
0x93: {  	s5 =	sld [smem:$0x3FFB];
	_ =	sdelay $0x3  }
0x94: {  	_ =	strace s5  }
0x95: {  	s5 =	sld [smem:$0x3FFC];
	_ =	sdelay $0x3  }
0x96: {  	_ =	strace s5  }
0x97: {  	s5 =	sld [smem:$0x3FFD];
	_ =	sdelay $0x3  }
0x98: {  	_ =	strace s5  }
0x99: {  	_ =	strace $0x8FFFFFFF  }
0x9a: {  	s20 =	sld [smem:$0x3FDB];
	_ =	sdelay $0x1  }
0x9b: {  	s6 =	simm.s32 $_scs_section_size  }
0x9c: {  	s7 =	simm.s32 $_size__tile_overlayer_lowered;
	s8 =	simm.s32 $_tile_overlayer_lowered  }
0x9d: {  	s23 =	simm.s32 $0x1BFF;
	s22 =	sshll.u32 s8, $0x1;
	s5 =	sadd.s32 s6, s20  }
0x9e: {  	s9 =	simm.s32 $0x0;
	s21 =	sshll.u32 s7, $0x1;
	s7 =	sadd.s32 s22, s5  }
0x9f: {  	[timem:s9], [sflag:s23] =	dma.local [hbm:s7], s21  }
0xa0: {  	_ =	swait.ge [sflag:s23], s21  }
0xa1: {  	s6 =	ssub.s32 $0x0, s21;
	[sflag:s23] =	ssyncset.done $0x0  }
0xa2: {  	[sflag:s23] =	ssyncadd.s32 s6;
	_ =	sdelay $0x1  }
0xa3: {  	s24 =	simm.s32 $0x1B8B  }
0xa4: {  	_ =	swait.ge [sflag:s24], $0x1  }
0xa5: {  	[sflag:s24] =	ssyncset.done $0x0  }
0xa6: {  	s25 =	simm.s32 $0x1B8E;
	[sflag:s24] =	ssyncadd.s32 $0xFFFFFFFF  }
0xa7: {  	s26 =	simm.s32 $execute0_lowered;
	[smem:$0x3FD2] =	sst s25  }
0xa8: {  	s6 =	sshll.u32 s26, $0x1;
	_ =	strace $0x80000046;
	[dreg:$0x1] =	wrdreg $0xFFFFFFFF  }
0xa9: {  	s28 =	simm.s32 $_size_execute0_lowered;
	s5 =	sadd.s32 s5, s6;
	[dreg:$0x0] =	wrdreg $0x0  }
0xaa: {  	s6 =	sshll.u32 s28, $0x1;
	[dreg:$0x2] =	wrdreg s5  }
0xab: {  	[dreg:$0x3] =	wrdreg s6  }
0xac: {  	[dreg:$0x4] =	wrdreg $0xC0  }
0xad: {  	_ =	task [dreg:s9], $0x5FFFF  }
0xae: {  	[dreg:$0x1] =	wrdreg $0xFFFFFFFF  }
0xaf: {  	[dreg:$0x0] =	wrdreg $0x60  }
0xb0: {  	[dreg:$0x2] =	wrdreg s2  }
0xb1: {  	[dreg:$0x3] =	wrdreg s19  }
0xb2: {  	[dreg:$0x4] =	wrdreg s4  }
0xb3: {  	[dreg:$0x5] =	wrdreg $0x90000  }
0xb4: {  	[dreg:$0x6] =	wrdreg $0x9  }
0xb5: {  	_ =	task.clear_ibuf [dreg:s9], $0x7FFFF;
	_ =	strace $0x90000046  }
0xb6: {  	s29 =	simm.s32 $0x9;
	_ =	strace $0x80000048  }
0xb7: {  	_ =	swait.ge [sflag:s29], $0x1  }
0xb8: {  	[sflag:s29] =	ssyncadd.s32 $0xFFFFFFFF  }
0xb9: {  	_ =	strace $0x90000048  }
0xba: {  	_ =	sfence  }
0xbb: {  	s30 =	sld [smem:$0x0];
	_ =	sdelay $0x2  }
0xbc: {  	s31 =	sshll.u32 s1, $0xD;
	s1 =	sshrl.u32 s1, $0x2  }
0xbd: {  	s3 =	sand.u32 $0x4000, s31;
	s1 =	sadd.s32 s1, s30  }
0xbe: {  	s0 =	sor.u32 s3, s0;
	s1 =	sshll.u32 s1, $0x11  }
0xbf: {  	s0 =	sor.u32 s1, s0  }
0xc0: {  	s0 =	sadd.s32 $0x8F2B, s0  }
0xc1: {  	[sflag:s0] =	ssyncadd.remote.s32 $0x1  }
0xc2: {  	_ =	sfence.sel $0xFFFF  }
0xc3: {  	[dreg:$0x0] =	wrdreg $0xFFFFFFFF;
	(pc) =	sbr.abs _section_cstart, $3  }
0xc4: {  	[dreg:$0x1] =	wrdreg $0xFFFFFFFF  }
0xc5: {  	_ =	task.clear_ibuf [dreg:s9], $0x2FFFF;
	_ =	strace $0x9FFFFFFF  }
0xc6: {  	(tm) =	ssettm $0x7FFFFFFF  }
0xc7: {  	_ =	shalt  }
tec
execute0_lowered:
.L_overlay_start_1:
0x0: {  	(tag) =	ssettag $0x1  }
0x1: {  	s1 =	rddreg [dreg:$0x0]  }
0x2: {  	s2 =	rddreg [dreg:$0x1]  }
0x3: {  	s12 =	rddreg [dreg:$0x2]  }
0x4: {  	s4 =	rddreg [dreg:$0x3]  }
0x5: {  	s0 =	rddreg [dreg:$0x4];
	s6 =	srdreg.scid;
	s5 =	simm.s32 $0x0  }
0x6: {  	s3 =	stileid.u32;
	s16 =	simm.s32 $0x80;
	s17 =	simm.s32 $0x1  }
0x7: {  	s18 =	simm.s32 $0x800;
	s19 =	simm.s32 $0x5000;
	s20 =	simm.s32 $0x2  }
0x8: {  	s21 =	simm.s32 $0x3;
	s22 =	simm.s32 $0x4;
	s24 =	simm.s32 $0x0  }
0x9: {  	s6 =	sand.u32 $0x1, s6;
	[smem:$0x7FF] =	sst s5;
	s8 =	smul.u32 $0x4F000, s3  }
0xa: {  	s11 =	smul.u32 $0x13C00, s3;
	s23 =	sshll.u32 s3, $0x6;
	s7 =	ssub.s32 $0x2, s6  }
0xb: {  	_ =	strace $0x80000047;
	s10 =	smul.u32 $0x13C000, s6;
	s6 =	sshll.u32 s6, $0x4  }
0xc: {  	s23 =	sor.u32 $0x1C05, s23;
	s9 =	sshrl.u32 s7, $0x1;
	s8 =	sshrl.u32 s8, $0x2  }
.Ltmp0:
0xd: {  	s14 =	sor.u32 s3, s6;
	s6 =	sadd.s32 s8, s4;
	(pc) =	sbr.rel .LBB2_1-.Ltmp0, $4  }
0xe: {  	s13 =	ssub.s32 s7, s9;
	s11 =	sadd.s32 s11, s10;
	s7 =	sadd.s32 $0x4000, s6  }
0xf: {  	s8 =	sadd.s32 $0x8000, s6;
	s9 =	sadd.s32 $0xC000, s6;
	s10 =	sadd.s32 $0x10000, s6  }
0x10: {  	s15 =	sshrl.u32 s11, $0x3;
	s11 =	smul.u32 $0x5000, s14;
	s13 =	smax.u32 s13, $0x1  }
0x11: {  	v0 =	vimm.f32 $0.0e+00;
	s14 =	simm.s32 $0x1000;
	s12 =	sadd.s32 s12, s15;
	s15 =	simm.s32 $0x5  }
.LBB2_11:
0x12: {  	s24 =	sadd.s32 $0x1, s24  }
0x13: {  	p0 =	sne.s32 s24, s13  }
.Ltmp1:
0x14: {  	[bflag:$0x0] =	sbarrier.arrive $0xFFFF;
	s25 =	sshrl.u32 s6, $0x3;
	(pc) =	sbr.rel @!p0 .LBB2_12-.Ltmp1, $4  }
0x15: {  	[hbm:s12], [sflag:s23] =	dma.local [spmem:s25], $0x2780  }
0x16: {  	_ =	swait.ge [sflag:s15], $0x2780  }
0x17: {  	[sflag:s15] =	ssyncset.done $0x0  }
0x18: {  	[sflag:s15] =	ssyncadd.s32 $0xFFFFD880  }
.LBB2_1:
0x19: {  	s25 =	simm.s32 $0x0;
	s26 =	simm.s32 $0x200  }
.LBB2_2:
0x1a: {  	p0 =	sne.s32 s26, $0xFE00;
	[tilespmem:s25+$0x1070] =	vst v0  }
0x1b: {  	[tilespmem:s25+$0x1000] =	vst v0  }
0x1c: {  	[tilespmem:s25+$0x1010] =	vst v0  }
.Ltmp2:
0x1d: {  	[tilespmem:s25+$0x1020] =	vst v0;
	(pc) =	sbr.rel @p0 .LBB2_2-.Ltmp2, $4  }
0x1e: {  	[tilespmem:s25+$0x1030] =	vst v0  }
0x1f: {  	[tilespmem:s25+$0x1040] =	vst v0  }
0x20: {  	[tilespmem:s25+$0x1050] =	vst v0  }
0x21: {  	[tilespmem:s25+$0x1060] =	vst v0;
	s25 =	sshra.s32 s26, $0x2;
	s26 =	sadd.s32 $0x200, s26  }
0x22: {  	[tilespmem:s25+$0x1070] =	vst v0  }
0x23: {  	[tilespmem:s25+$0x1000] =	vst v0  }
0x24: {  	[tilespmem:s25+$0x1010] =	vst v0  }
0x25: {  	[tilespmem:s25+$0x1020] =	vst v0  }
0x26: {  	[tilespmem:s25+$0x1030] =	vst v0  }
0x27: {  	[tilespmem:s25+$0x1040] =	vst v0  }
0x28: {  	[tilespmem:s25+$0x1050] =	vst v0  }
0x29: {  	[tilespmem:s25+$0x1060] =	vst v0  }
0x2a: {  	[spmem:s6] =	stream.linear.scatter [tilespmem:s14], [sflag:$0x5], $0x4000, $0x38;
	[tilespmem:$0x1CC00] =	vst v63  }
0x2b: {  	_ =	swait.ge [sflag:s15], $0x4000  }
0x2c: {  	[sflag:s15] =	ssyncset.done $0x0  }
0x2d: {  	[sflag:s15] =	ssyncadd.s32 $0xFFFFC000  }
0x2e: {  	[spmem:s7] =	stream.linear.scatter [tilespmem:s14], [sflag:$0x5], $0x4000, $0x38;
	[tilespmem:$0x1CC00] =	vst v63  }
0x2f: {  	_ =	swait.ge [sflag:s15], $0x4000  }
0x30: {  	[sflag:s15] =	ssyncset.done $0x0  }
0x31: {  	[sflag:s15] =	ssyncadd.s32 $0xFFFFC000  }
0x32: {  	[spmem:s8] =	stream.linear.scatter [tilespmem:s14], [sflag:$0x5], $0x4000, $0x38;
	[tilespmem:$0x1CC00] =	vst v63  }
0x33: {  	_ =	swait.ge [sflag:s15], $0x4000  }
0x34: {  	[sflag:s15] =	ssyncset.done $0x0  }
0x35: {  	[sflag:s15] =	ssyncadd.s32 $0xFFFFC000  }
0x36: {  	[spmem:s9] =	stream.linear.scatter [tilespmem:s14], [sflag:$0x5], $0x4000, $0x38;
	[tilespmem:$0x1CC00] =	vst v63  }
0x37: {  	_ =	swait.ge [sflag:s15], $0x4000  }
0x38: {  	[sflag:s15] =	ssyncset.done $0x0  }
0x39: {  	[sflag:s15] =	ssyncadd.s32 $0xFFFFC000  }
0x3a: {  	[spmem:s10] =	stream.linear.scatter [tilespmem:s14], [sflag:$0x5], $0x3C00, $0x38;
	[tilespmem:$0x1CC00] =	vst v63  }
.Ltmp3:
0x3b: {  	_ =	swait.ge [sflag:s15], $0x3C00;
	(pc) =	sbr.rel .LBB2_4-.Ltmp3, $4  }
0x3c: {  	[sflag:s15] =	ssyncset.done $0x0  }
0x3d: {  	[sflag:s15] =	ssyncadd.s32 $0xFFFFC400  }
0x3e: {  	[bflag:$0x0] =	sbarrier.arrive $0xFFFF  }
0x3f: {  	s25 =	simm.s32 $0x0  }
.LBB2_10:
0x40: {  	s25 =	sadd.s32 $0x1, s25  }
0x41: {  	p0 =	sne.s32 s25, $0x5  }
.Ltmp4:
0x42: {  	_ = 	snop;
	(pc) =	sbr.rel @!p0 .LBB2_11-.Ltmp4, $4  }
0x43: {  	_ = 	snop  }
0x44: {  	_ =	swait.ge [sflag:s22], $0x4000  }
0x45: {  	[sflag:s22] =	ssyncset.done $0x0  }
0x46: {  	[sflag:s22] =	ssyncadd.s32 $0xFFFFC000  }
.LBB2_4:
0x47: {  	s26 =	sshll.u32 s25, $0xC  }
0x48: {  	s26 =	sadd.s32 s11, s26  }
0x49: {  	s26 =	sshrl.u32 s26, $0x3  }
0x4a: {  	s26 =	sadd.s32 s2, s26  }
0x4b: {  	[tilespmem:s5], [sflag:$0x5] =	stream.linear.gather [hbm4b:s26+s5], $0x1000, $0x38;
	[tilespmem:$0x1CC00] =	vst v63  }
0x4c: {  	_ =	swait.ge [sflag:s15], $0x1000  }
0x4d: {  	[sflag:s15] =	ssyncset.done $0x0  }
0x4e: {  	[sflag:s15] =	ssyncadd.s32 $0xFFFFF000  }
0x4f: {  	[tilespmem:s14], [sflag:$0x1] =	stream.indirect.gather [hbm4b:s1+s16], $0x80, s5, s16, $0xb8;
	[tilespmem:$0x1CC00] =	vst v63  }
0x50: {  	_ =	swait.ge [sflag:s17], $0x4000  }
.Ltmp5:
0x51: {  	[sflag:s17] =	ssyncset.done $0x0;
	(pc) =	sbr.rel .LBB2_5-.Ltmp5, $4  }
0x52: {  	[sflag:s17] =	ssyncadd.s32 $0xFFFFC000  }
0x53: {  	[spmem:s4] =	stream.indirect.scatter.add.f32 [tilespmem:s14], [sflag:$0x3], $0x80, s18, s16, $0xb8;
	[tilespmem:$0x1CC00] =	vst v63  }
0x54: {  	s28 =	simm.s32 $0xFFFFFFF1;
	s26 =	simm.s32 $0x880  }
0x55: {  	[tilespmem:s19], [sflag:$0x2] =	stream.indirect.gather [hbm4b:s1+s16], $0x80, s16, s16, $0xb8;
	[tilespmem:$0x1CC00] =	vst v63  }
.LBB2_6:
0x56: {  	_ =	swait.ge [sflag:s17], $0x4000  }
0x57: {  	[sflag:s17] =	ssyncset.done $0x0  }
0x58: {  	[sflag:s17] =	ssyncadd.s32 $0xFFFFC000  }
0x59: {  	[spmem:s4] =	stream.indirect.scatter.add.f32 [tilespmem:s14], [sflag:$0x3], $0x80, s26, s16, $0xb8;
	[tilespmem:$0x1CC00] =	vst v63  }
0x5a: {  	_ =	swait.ge [sflag:s22], $0x4000  }
0x5b: {  	[sflag:s22] =	ssyncset.done $0x0  }
0x5c: {  	s29 =	sadd.s32 $0xFFFFF880, s26;
	[sflag:s22] =	ssyncadd.s32 $0xFFFFC000  }
0x5d: {  	[tilespmem:s19], [sflag:$0x2] =	stream.indirect.gather [hbm4b:s1+s16], $0x80, s29, s16, $0xb8;
	[tilespmem:$0x1CC00] =	vst v63  }
.LBB2_9:
0x5e: {  	s28 =	sadd.s32 $0x1, s28  }
0x5f: {  	p0 =	seq.s32 s28, $0x0  }
.Ltmp6:
0x60: {  	_ = 	snop;
	(pc) =	sbr.rel @p0 .LBB2_10-.Ltmp6, $2  }
0x61: {  	_ =	sdelay $0x2  }
0x62: {  	s26 =	sadd.s32 $0x80, s26  }
.LBB2_5:
0x63: {  	s29 =	sand.u32 $0x1, s28  }
0x64: {  	p0 =	seq.s32 s29, $0x1  }
.Ltmp7:
0x65: {  	_ = 	snop;
	(pc) =	sbr.rel @!p0 .LBB2_6-.Ltmp7, $1  }
0x66: {  	_ =	sdelay $0x3  }
0x67: {  	_ =	swait.ge [sflag:s20], $0x4000  }
0x68: {  	p0 =	seq.s32 s28, $0xFFFFFFFF;
	[sflag:s20] =	ssyncset.done $0x0  }
.Ltmp8:
0x69: {  	[sflag:s20] =	ssyncadd.s32 $0xFFFFC000;
	(pc) =	sbr.rel @p0 .LBB2_10-.Ltmp8, $4  }
0x6a: {  	[spmem:s4] =	stream.indirect.scatter.add.f32 [tilespmem:s19], [sflag:$0x4], $0x80, s26, s16, $0xb8;
	[tilespmem:$0x1CC00] =	vst v63  }
0x6b: {  	_ =	swait.ge [sflag:s21], $0x4000  }
0x6c: {  	[sflag:s21] =	ssyncset.done $0x0  }
0x6d: {  	[sflag:s21] =	ssyncadd.s32 $0xFFFFC000  }
.Ltmp9:
0x6e: {  	(pc) =	sbr.rel .LBB2_9-.Ltmp9, $3  }
0x6f: {  	_ =	sdelay $0x1  }
0x70: {  	s29 =	sadd.s32 $0xFFFFF880, s26  }
0x71: {  	[tilespmem:s14], [sflag:$0x1] =	stream.indirect.gather [hbm4b:s1+s16], $0x80, s29, s16, $0xb8;
	[tilespmem:$0x1CC00] =	vst v63  }
.LBB2_12:
0x72: {  	_ =	sfence.sel $0x180000  }
0x73: {  	[bflag:$0x0] =	sbarrier.arrive $0xFFFF  }
0x74: {  	p0 =	sne.s32 s3, $0x0;
	_ =	strace $0x90000047  }
0x75: {  	s0 =	sadd.s32 @!p0 $0x100000, s0;
	[bflag:$0x2] =	sbarrier.arrive $0xFFFF  }
0x76: {  	[sflag:s0] =	ssyncadd.tile.s32 @!p0 $0x1;
	_ =	shalt  }
.Lfunc_end2:
_tile_overlayer_lowered:
.L_overlay_start_2:
0x77: {  	(tag) =	ssettag $0x2  }
0x78: {  	s0 =	rddreg [dreg:$0x0];
	s2 =	stileid.u32  }
0x79: {  	s1 =	rddreg [dreg:$0x1];
	p0 =	sne.s32 s2, $0x0  }
0x7a: {  	s3 =	rddreg [dreg:$0x2];
	[bflag:$0x3] =	sbarrier.arrive $0xFFFF;
	s2 =	simm.s32 @!p0 $0x1C05  }
0x7b: {  	[timem:s3], [sflag:s2] =	dma.local @!p0 [hbm:s0], s1  }
0x7c: {  	s0 =	simm.s32 @!p0 $0x5  }
0x7d: {  	_ =	swait.ge @!p0 [sflag:s0], s1  }
0x7e: {  	s1 =	ssub.s32 @!p0 $0x0, s1;
	[sflag:s0] =	ssyncset.done @!p0 $0x0  }
0x7f: {  	[sflag:s0] =	ssyncadd.s32 @!p0 s1  }
0x80: {  	[bflag:$0x3] =	sbarrier.arrive $0xFFFF  }
0x81: {  	_ =	shalt  }

</sc_bundles>
